<compile_context>
chip_gen: v7x
topology: tpu7x:2x2x1
jax: 0.10.2.dev20260603
libtpu: 0.0.44.dev20260713+nightly
codegen_flags: <defaults>
</compile_context>

<pallas_src>
import functools

import jax
import jax.numpy as jnp
from jax import lax
from jax.experimental import pallas as pl
from jax.experimental.pallas import tpu as pltpu
from jax.experimental.pallas import tpu_sc as plsc

N_FIELDS = 26
VOCAB = 100000
EMBED_DIM = 16
N_DENSE = 13
BATCH = 16384
FPAD = 32
NSLAB = 4
SLAB_ROWS = BATCH * 8
ROWS = BATCH * FPAD

_NC = 2
_NS = 16
_NW = _NC * _NS
_RPW = ROWS // _NW
_CHR = 2048
_NCH = _RPW // _CHR


def _sc_gather(tables, idx_flat, offs):
    mesh = plsc.VectorSubcoreMesh(core_axis_name="c", subcore_axis_name="s")

    @functools.partial(
        pl.kernel,
        mesh=mesh,
        compiler_params=pltpu.CompilerParams(use_tc_tiling_on_sc=False),
        out_type=jax.ShapeDtypeStruct((ROWS // 8, 8 * EMBED_DIM), jnp.float32),
        scratch_types=[
            pltpu.VMEM((_CHR,), jnp.int32),
            pltpu.VMEM((_CHR,), jnp.int32),
            pltpu.VMEM((_CHR, EMBED_DIM), jnp.float32),
            pltpu.VMEM((_CHR // 8, 8 * EMBED_DIM), jnp.float32),
            pltpu.VMEM((NSLAB * 16,), jnp.int32),
            pltpu.SemaphoreType.DMA,
        ],
    )
    def k(tab2, idx_hbm, off_hbm, out_hbm, raw_v, idx_v, rows_v, stage_v,
          off_v, sem):
        wid = lax.axis_index("s") * _NC + lax.axis_index("c")
        pltpu.sync_copy(off_hbm, off_v)
        r0_w = wid * _RPW
        slab = wid // 8
        off16 = off_v[pl.ds(slab * 16, 16)]

        def chunk(ci, carry):
            r0 = r0_w + ci * _CHR
            pltpu.sync_copy(idx_hbm.at[pl.ds(r0, _CHR)], raw_v)

            def grp(m, carry2):
                s = m * 128
                for j in range(8):
                    sl = pl.ds(s + j * 16, 16)
                    idx_v[sl] = raw_v[sl] + off16
                return carry2

            lax.fori_loop(0, _CHR // 128, grp, 0)
            pltpu.async_copy(tab2.at[idx_v], rows_v, sem).wait()

            def row_loop(r2, carry3):
                for u in range(8):
                    stage_v[r2, pl.ds(u * EMBED_DIM, EMBED_DIM)] = (
                        rows_v[r2 * 8 + u])
                return carry3

            lax.fori_loop(0, _CHR // 8, row_loop, 0)
            pltpu.sync_copy(stage_v, out_hbm.at[pl.ds(r0 // 8, _CHR // 8)])
            return carry

        lax.fori_loop(0, _NCH, chunk, 0)

    return k(tables, idx_flat, offs)


_BB = 1024


def _mlp_body(dense_ref, e0_ref, e1_ref, e2_ref, e3_ref, w1d_ref, w1e_ref,
              b1_ref, w2_ref, b2_ref, w3_ref, b3_ref, w4r_ref, wwr_ref,
              bsum_ref, out_ref):
    dense = dense_ref[...]
    h = jnp.dot(dense, w1d_ref[...], preferred_element_type=jnp.float32)
    for hh, eref in enumerate((e0_ref, e1_ref, e2_ref, e3_ref)):
        h = h + jnp.dot(eref[...], w1e_ref[hh * 128:(hh + 1) * 128, :],
                        preferred_element_type=jnp.float32)
    h = jnp.maximum(h + b1_ref[...], 0.0)
    h = jnp.maximum(jnp.dot(h, w2_ref[...], preferred_element_type=jnp.float32)
                    + b2_ref[...], 0.0)
    h = jnp.maximum(jnp.dot(h, w3_ref[...], preferred_element_type=jnp.float32)
                    + b3_ref[...], 0.0)
    deep = jnp.sum(h * w4r_ref[...], axis=1, keepdims=True)
    wide = jnp.sum(dense * wwr_ref[...], axis=1, keepdims=True)
    z = 0.5 * (wide + deep) + bsum_ref[...]
    out_ref[...] = 1.0 / (1.0 + jnp.exp(-z))


def _mlp(dense, emb128, w1d, w1e, b1, W2, b2, W3, b3, w4r, wwr, bsum):
    grid = (BATCH // _BB,)
    full = lambda shape: pl.BlockSpec(shape, lambda i: (0, 0))
    nblk = _BB // 128

    def slab_spec(hh):
        return pl.BlockSpec((_BB, 128),
                            lambda i, hh=hh: (hh * (BATCH // _BB) + i, 0))

    return pl.pallas_call(
        _mlp_body,
        grid=grid,
        in_specs=[
            pl.BlockSpec((_BB, N_DENSE), lambda i: (i, 0)),
            slab_spec(0), slab_spec(1), slab_spec(2), slab_spec(3),
            full(w1d.shape), full(w1e.shape), full(b1.shape),
            full(W2.shape), full(b2.shape),
            full(W3.shape), full(b3.shape),
            full(w4r.shape), full(wwr.shape), full(bsum.shape),
        ],
        out_specs=pl.BlockSpec((_BB, 1), lambda i: (i, 0)),
        out_shape=jax.ShapeDtypeStruct((BATCH, 1), jnp.float32),
    )(dense, emb128, emb128, emb128, emb128, w1d, w1e, b1, W2, b2, W3, b3,
      w4r, wwr, bsum)


def kernel(dense_inputs, sparse_inputs, tables, w_wide, b_wide,
           W1, b1, W2, b2, W3, b3, W4, b4):
    sp = sparse_inputs.astype(jnp.int32)
    sp_pad = jnp.concatenate([sp, sp[:, :FPAD - N_FIELDS]], axis=1)
    idx_flat = (sp_pad.reshape(BATCH, NSLAB, 8)
                .transpose(1, 0, 2).reshape(ROWS))

    f_of = jnp.arange(NSLAB * 16, dtype=jnp.int32)
    f_val = (f_of // 16) * 8 + (f_of % 8)
    offs = jnp.where(f_val < N_FIELDS, f_val * VOCAB, 0)

    emb128 = _sc_gather(tables.reshape(N_FIELDS * VOCAB, EMBED_DIM),
                        idx_flat, offs)

    j = jnp.arange(NSLAB * 128)
    f = (j // 128) * 8 + (j % 128) // EMBED_DIM
    d = j % EMBED_DIM
    src = jnp.where(f < N_FIELDS, N_DENSE + f * EMBED_DIM + d, 0)
    w1e = jnp.where((f < N_FIELDS)[:, None], W1[src], 0.0)

    w1d = W1[:N_DENSE]
    w4r = W4.reshape(1, -1)
    wwr = w_wide.reshape(1, -1)
    bsum = (0.5 * (b_wide + b4)).reshape(1, 1)

    return _mlp(dense_inputs, emb128, w1d, w1e, b1.reshape(1, -1),
                W2, b2.reshape(1, -1), W3, b3.reshape(1, -1), w4r, wwr, bsum)

# --- scband reference (transcript-rebuilt; emitter-appended) ---
"""Pipeline reference for scband-wide-deep-40596030882547 (READ-ONLY COPY).

The authoritative reference and input builder live on the scoring server;
editing this copy changes nothing except your own understanding.
"""

import jax, jax.numpy as jnp
import numpy as np

N_FIELDS = 26
VOCAB = 100000
EMBED_DIM = 16
N_DENSE = 13
BATCH = 16384
HIDDEN = [256, 128, 64]
OUT_DIM = 1


def setup_inputs(seed: int = 0) -> dict:
    key = jax.random.key(seed)
    ks = jax.random.split(key, 16)
    dense_inputs = jax.random.normal(ks[0], (BATCH, N_DENSE), dtype=jnp.float32)
    sparse_inputs = jax.random.randint(ks[1], (BATCH, N_FIELDS), 0, VOCAB, dtype=jnp.int64)
    # learned params
    tables = jax.random.normal(ks[2], (N_FIELDS, VOCAB, EMBED_DIM), dtype=jnp.float32) * 0.05
    w_wide = jax.random.normal(ks[3], (N_DENSE, OUT_DIM), dtype=jnp.float32) * 0.05
    b_wide = jnp.zeros((OUT_DIM,), dtype=jnp.float32)
    d_in = N_DENSE + N_FIELDS * EMBED_DIM  # 429
    dims = [d_in] + HIDDEN + [OUT_DIM]
    W1 = jax.random.normal(ks[4], (dims[0], dims[1]), dtype=jnp.float32) * (1.0 / np.sqrt(dims[0]))
    b1 = jnp.zeros((dims[1],), dtype=jnp.float32)
    W2 = jax.random.normal(ks[5], (dims[1], dims[2]), dtype=jnp.float32) * (1.0 / np.sqrt(dims[1]))
    b2 = jnp.zeros((dims[2],), dtype=jnp.float32)
    W3 = jax.random.normal(ks[6], (dims[2], dims[3]), dtype=jnp.float32) * (1.0 / np.sqrt(dims[2]))
    b3 = jnp.zeros((dims[3],), dtype=jnp.float32)
    W4 = jax.random.normal(ks[7], (dims[3], dims[4]), dtype=jnp.float32) * (1.0 / np.sqrt(dims[3]))
    b4 = jnp.zeros((dims[4],), dtype=jnp.float32)
    return {
        'dense_inputs': dense_inputs,
        'sparse_inputs': sparse_inputs,
        'tables': tables,
        'w_wide': w_wide,
        'b_wide': b_wide,
        'W1': W1, 'b1': b1,
        'W2': W2, 'b2': b2,
        'W3': W3, 'b3': b3,
        'W4': W4, 'b4': b4,
    }


def reference(dense_inputs, sparse_inputs, tables, w_wide, b_wide, W1, b1, W2, b2, W3, b3, W4, b4):
    # Wide part: linear on dense features
    wide_output = dense_inputs @ w_wide + b_wide  # [B, 1]
    # Sparse embedding lookups: per-field gather then concat along last dim
    # tables: [F, V, D]; sparse_inputs: [B, F]
    emb = jax.vmap(lambda t, idx: jnp.take(t, idx, axis=0), in_axes=(0, 1), out_axes=1)(tables, sparse_inputs)  # [B, F, D]
    sparse_embed = emb.reshape(emb.shape[0], -1)  # [B, F*D]
    x = jnp.concatenate([dense_inputs, sparse_embed], axis=-1)
    # Deep part: MLP with relu hidden layers, linear output
    h = jax.nn.relu(x @ W1 + b1)
    h = jax.nn.relu(h @ W2 + b2)
    h = jax.nn.relu(h @ W3 + b3)
    deep_output = h @ W4 + b4  # [B, 1]
    output = jax.nn.sigmoid(0.5 * (wide_output + deep_output))
    return output

if __name__ == "__main__":
    import jax
    _d = setup_inputs()
    print(jax.jit(kernel)(*tuple(_d.values())))

</pallas_src>

<mosaic_0001>
#map = affine_map<(d0, d1) -> (0, 0)>
#map1 = affine_map<(d0, d1) -> (0)>
module attributes {stable_mosaic.version = 14 : i64} {
  func.func @k(%arg0: i32, %arg1: i32, %arg2: memref<2600000x16xf32, #tpu.memory_space<hbm>>, %arg3: memref<524288xi32, #tpu.memory_space<hbm>>, %arg4: memref<64xi32, #tpu.memory_space<hbm>>, %arg5: memref<65536x128xf32, #tpu.memory_space<hbm>>, %arg6: memref<2048xi32, #tpu.memory_space<vmem>>, %arg7: memref<2048xi32, #tpu.memory_space<vmem>>, %arg8: memref<2048x16xf32, #tpu.memory_space<vmem>>, %arg9: memref<256x128xf32, #tpu.memory_space<vmem>>, %arg10: memref<64xi32, #tpu.memory_space<vmem>>, %arg11: memref<!tpu.dma_semaphore, #tpu.memory_space<semaphore_mem>>) attributes {dimension_semantics = [#tpu.dimension_semantics<core_parallel>, #tpu.dimension_semantics<subcore_parallel>], iteration_bounds = array<i64: 2, 16>, scalar_prefetch = 0 : i64, scratch_operands = 6 : i64, tpu.core_type = #tpu.core_type<sc_vector_subcore>, window_params = [{transform_indices = #map}, {transform_indices = #map1}, {transform_indices = #map1}, {transform_indices = #map}]} {
    %mul3A = arith.constant 2 : i32
    %mul3A_0 = arith.muli %arg1, %mul3A : i32
    %add3A = arith.addi %mul3A_0, %arg0 : i32
    "tpu.region"() ({
      %run_scoped3A = tpu.sem_alloc : memref<!tpu.dma_semaphore, #tpu.memory_space<semaphore_mem>>
      tpu.enqueue_dma source(%arg4 : memref<64xi32, #tpu.memory_space<hbm>>) target(%arg10 : memref<64xi32, #tpu.memory_space<vmem>>) target_semaphore(%run_scoped3A : memref<!tpu.dma_semaphore, #tpu.memory_space<semaphore_mem>>)
      tpu.wait_dma2 semaphore(%run_scoped3A : memref<!tpu.dma_semaphore, #tpu.memory_space<semaphore_mem>>) src(%arg4 : memref<64xi32, #tpu.memory_space<hbm>>) dst(%arg10 : memref<64xi32, #tpu.memory_space<vmem>>)
      tpu.yield
    }) : () -> ()
    %mul3A_1 = arith.constant 16384 : i32
    %mul3A_2 = arith.muli %add3A, %mul3A_1 : i32
    %jit3A = arith.constant 8 : i32
    %div3A = arith.divsi %add3A, %jit3A : i32
    %sign3A = arith.constant 0 : i32
    %sign3A_3 = arith.cmpi sgt, %add3A, %sign3A : i32
    %sign3A_4 = arith.extui %sign3A_3 : i1 to i32
    %sign3A_5 = arith.constant 0 : i32
    %sign3A_6 = arith.cmpi slt, %add3A, %sign3A_5 : i32
    %sign3A_7 = arith.extui %sign3A_6 : i1 to i32
    %sign3A_8 = arith.subi %sign3A_4, %sign3A_7 : i32
    %sign3A_9 = arith.constant 0 : i32
    %sign3A_10 = arith.cmpi sgt, %jit3A, %sign3A_9 : i32
    %sign3A_11 = arith.extui %sign3A_10 : i1 to i32
    %sign3A_12 = arith.constant 0 : i32
    %sign3A_13 = arith.cmpi slt, %jit3A, %sign3A_12 : i32
    %sign3A_14 = arith.extui %sign3A_13 : i1 to i32
    %sign3A_15 = arith.subi %sign3A_11, %sign3A_14 : i32
    %ne3A = arith.cmpi ne, %sign3A_8, %sign3A_15 : i32
    %rem3A = arith.remsi %add3A, %jit3A : i32
    %ne3A_16 = arith.constant 0 : i32
    %ne3A_17 = arith.cmpi ne, %rem3A, %ne3A_16 : i32
    %and3A = arith.andi %ne3A, %ne3A_17 : i1
    %sub3A = arith.constant 1 : i32
    %sub3A_18 = arith.subi %div3A, %sub3A : i32
    %select_n3A = arith.select %and3A, %sub3A_18, %div3A : i32
    %mul3A_19 = arith.constant 16 : i32
    %mul3A_20 = arith.muli %select_n3A, %mul3A_19 : i32
    %get3A = arith.index_cast %mul3A_20 : i32 to index
    %get3A_21 = tpu.vector_load %arg10[%get3A] {strides = array<i32>} : memref<64xi32, #tpu.memory_space<vmem>>, vector<16xi32>,
    %get3A_22 = vector.shape_cast %get3A_21 : vector<16xi32> to vector<16xi32>
    %scan3A = arith.constant 0 : i32
    %scan3A_23 = arith.constant 0 : i32
    %scan3A_24 = arith.constant 8 : i32
    %scan3A_25 = arith.addi %scan3A_23, %scan3A_24 : i32
    %scan3A_26 = arith.constant 1 : i32
    scf.for %scan3A_28 = %scan3A_23 to %scan3A_25 step %scan3A_26  : i32 {
      %mul3A_29 = arith.constant 2048 : i32
      %mul3A_30 = arith.muli %scan3A_28, %mul3A_29 : i32
      %add3A_31 = arith.addi %mul3A_2, %mul3A_30 : i32
      "tpu.region"() ({
        %run_scoped3A = tpu.sem_alloc : memref<!tpu.dma_semaphore, #tpu.memory_space<semaphore_mem>>
        %dma_start3A_72 = tpu.memref_slice %arg3[%add3A_31] : memref<524288xi32, #tpu.memory_space<hbm>> -> memref<2048xi32, #tpu.memory_space<hbm>>
        %dma_start3A_73 = tpu.memref_slice %arg3[%add3A_31] : memref<524288xi32, #tpu.memory_space<hbm>> -> memref<2048xi32, #tpu.memory_space<hbm>>
        tpu.enqueue_dma source(%dma_start3A_73 : memref<2048xi32, #tpu.memory_space<hbm>>) target(%arg6 : memref<2048xi32, #tpu.memory_space<vmem>>) target_semaphore(%run_scoped3A : memref<!tpu.dma_semaphore, #tpu.memory_space<semaphore_mem>>)
        %dma_wait3A_74 = tpu.memref_slice %arg3[%add3A_31] : memref<524288xi32, #tpu.memory_space<hbm>> -> memref<2048xi32, #tpu.memory_space<hbm>>
        %dma_wait3A_75 = tpu.memref_slice %arg3[%add3A_31] : memref<524288xi32, #tpu.memory_space<hbm>> -> memref<2048xi32, #tpu.memory_space<hbm>>
        tpu.wait_dma2 semaphore(%run_scoped3A : memref<!tpu.dma_semaphore, #tpu.memory_space<semaphore_mem>>) src(%dma_wait3A_75 : memref<2048xi32, #tpu.memory_space<hbm>>) dst(%arg6 : memref<2048xi32, #tpu.memory_space<vmem>>)
        tpu.yield
      }) : () -> ()
      %scan3A_32 = arith.constant 0 : i32
      %scan3A_33 = arith.constant 0 : i32
      %scan3A_34 = arith.constant 16 : i32
      %scan3A_35 = arith.addi %scan3A_33, %scan3A_34 : i32
      %scan3A_36 = arith.constant 1 : i32
      scf.for %scan3A_72 = %scan3A_33 to %scan3A_35 step %scan3A_36  : i32 {
        %mul3A_73 = arith.constant 128 : i32
        %mul3A_74 = arith.muli %scan3A_72, %mul3A_73 : i32
        %add3A_75 = arith.constant 0 : i32
        %add3A_76 = arith.addi %mul3A_74, %add3A_75 : i32
        %get3A_77 = arith.index_cast %add3A_76 : i32 to index
        %get3A_78 = tpu.vector_load %arg6[%get3A_77] {strides = array<i32>} : memref<2048xi32, #tpu.memory_space<vmem>>, vector<16xi32>,
        %get3A_79 = vector.shape_cast %get3A_78 : vector<16xi32> to vector<16xi32>
        %add3A_80 = arith.addi %get3A_79, %get3A_22 : vector<16xi32>
        %swap3A = arith.index_cast %add3A_76 : i32 to index
        %swap3A_81 = tpu.vector_load %arg7[%swap3A] {strides = array<i32>} : memref<2048xi32, #tpu.memory_space<vmem>>, vector<16xi32>,
        %swap3A_82 = vector.shape_cast %swap3A_81 : vector<16xi32> to vector<16xi32>
        %swap3A_83 = vector.shape_cast %add3A_80 : vector<16xi32> to vector<16xi32>
        tpu.vector_store %arg7[%swap3A], %swap3A_83 {strides = array<i32>} : memref<2048xi32, #tpu.memory_space<vmem>>, vector<16xi32>,
        %add3A_84 = arith.constant 16 : i32
        %add3A_85 = arith.addi %mul3A_74, %add3A_84 : i32
        %get3A_86 = arith.index_cast %add3A_85 : i32 to index
        %get3A_87 = tpu.vector_load %arg6[%get3A_86] {strides = array<i32>} : memref<2048xi32, #tpu.memory_space<vmem>>, vector<16xi32>,
        %get3A_88 = vector.shape_cast %get3A_87 : vector<16xi32> to vector<16xi32>
        %add3A_89 = arith.addi %get3A_88, %get3A_22 : vector<16xi32>
        %swap3A_90 = arith.index_cast %add3A_85 : i32 to index
        %swap3A_91 = tpu.vector_load %arg7[%swap3A_90] {strides = array<i32>} : memref<2048xi32, #tpu.memory_space<vmem>>, vector<16xi32>,
        %swap3A_92 = vector.shape_cast %swap3A_91 : vector<16xi32> to vector<16xi32>
        %swap3A_93 = vector.shape_cast %add3A_89 : vector<16xi32> to vector<16xi32>
        tpu.vector_store %arg7[%swap3A_90], %swap3A_93 {strides = array<i32>} : memref<2048xi32, #tpu.memory_space<vmem>>, vector<16xi32>,
        %add3A_94 = arith.constant 32 : i32
        %add3A_95 = arith.addi %mul3A_74, %add3A_94 : i32
        %get3A_96 = arith.index_cast %add3A_95 : i32 to index
        %get3A_97 = tpu.vector_load %arg6[%get3A_96] {strides = array<i32>} : memref<2048xi32, #tpu.memory_space<vmem>>, vector<16xi32>,
        %get3A_98 = vector.shape_cast %get3A_97 : vector<16xi32> to vector<16xi32>
        %add3A_99 = arith.addi %get3A_98, %get3A_22 : vector<16xi32>
        %swap3A_100 = arith.index_cast %add3A_95 : i32 to index
        %swap3A_101 = tpu.vector_load %arg7[%swap3A_100] {strides = array<i32>} : memref<2048xi32, #tpu.memory_space<vmem>>, vector<16xi32>,
        %swap3A_102 = vector.shape_cast %swap3A_101 : vector<16xi32> to vector<16xi32>
        %swap3A_103 = vector.shape_cast %add3A_99 : vector<16xi32> to vector<16xi32>
        tpu.vector_store %arg7[%swap3A_100], %swap3A_103 {strides = array<i32>} : memref<2048xi32, #tpu.memory_space<vmem>>, vector<16xi32>,
        %add3A_104 = arith.constant 48 : i32
        %add3A_105 = arith.addi %mul3A_74, %add3A_104 : i32
        %get3A_106 = arith.index_cast %add3A_105 : i32 to index
        %get3A_107 = tpu.vector_load %arg6[%get3A_106] {strides = array<i32>} : memref<2048xi32, #tpu.memory_space<vmem>>, vector<16xi32>,
        %get3A_108 = vector.shape_cast %get3A_107 : vector<16xi32> to vector<16xi32>
        %add3A_109 = arith.addi %get3A_108, %get3A_22 : vector<16xi32>
        %swap3A_110 = arith.index_cast %add3A_105 : i32 to index
        %swap3A_111 = tpu.vector_load %arg7[%swap3A_110] {strides = array<i32>} : memref<2048xi32, #tpu.memory_space<vmem>>, vector<16xi32>,
        %swap3A_112 = vector.shape_cast %swap3A_111 : vector<16xi32> to vector<16xi32>
        %swap3A_113 = vector.shape_cast %add3A_109 : vector<16xi32> to vector<16xi32>
        tpu.vector_store %arg7[%swap3A_110], %swap3A_113 {strides = array<i32>} : memref<2048xi32, #tpu.memory_space<vmem>>, vector<16xi32>,
        %add3A_114 = arith.constant 64 : i32
        %add3A_115 = arith.addi %mul3A_74, %add3A_114 : i32
        %get3A_116 = arith.index_cast %add3A_115 : i32 to index
        %get3A_117 = tpu.vector_load %arg6[%get3A_116] {strides = array<i32>} : memref<2048xi32, #tpu.memory_space<vmem>>, vector<16xi32>,
        %get3A_118 = vector.shape_cast %get3A_117 : vector<16xi32> to vector<16xi32>
        %add3A_119 = arith.addi %get3A_118, %get3A_22 : vector<16xi32>
        %swap3A_120 = arith.index_cast %add3A_115 : i32 to index
        %swap3A_121 = tpu.vector_load %arg7[%swap3A_120] {strides = array<i32>} : memref<2048xi32, #tpu.memory_space<vmem>>, vector<16xi32>,
        %swap3A_122 = vector.shape_cast %swap3A_121 : vector<16xi32> to vector<16xi32>
        %swap3A_123 = vector.shape_cast %add3A_119 : vector<16xi32> to vector<16xi32>
        tpu.vector_store %arg7[%swap3A_120], %swap3A_123 {strides = array<i32>} : memref<2048xi32, #tpu.memory_space<vmem>>, vector<16xi32>,
        %add3A_124 = arith.constant 80 : i32
        %add3A_125 = arith.addi %mul3A_74, %add3A_124 : i32
        %get3A_126 = arith.index_cast %add3A_125 : i32 to index
        %get3A_127 = tpu.vector_load %arg6[%get3A_126] {strides = array<i32>} : memref<2048xi32, #tpu.memory_space<vmem>>, vector<16xi32>,
        %get3A_128 = vector.shape_cast %get3A_127 : vector<16xi32> to vector<16xi32>
        %add3A_129 = arith.addi %get3A_128, %get3A_22 : vector<16xi32>
        %swap3A_130 = arith.index_cast %add3A_125 : i32 to index
        %swap3A_131 = tpu.vector_load %arg7[%swap3A_130] {strides = array<i32>} : memref<2048xi32, #tpu.memory_space<vmem>>, vector<16xi32>,
        %swap3A_132 = vector.shape_cast %swap3A_131 : vector<16xi32> to vector<16xi32>
        %swap3A_133 = vector.shape_cast %add3A_129 : vector<16xi32> to vector<16xi32>
        tpu.vector_store %arg7[%swap3A_130], %swap3A_133 {strides = array<i32>} : memref<2048xi32, #tpu.memory_space<vmem>>, vector<16xi32>,
        %add3A_134 = arith.constant 96 : i32
        %add3A_135 = arith.addi %mul3A_74, %add3A_134 : i32
        %get3A_136 = arith.index_cast %add3A_135 : i32 to index
        %get3A_137 = tpu.vector_load %arg6[%get3A_136] {strides = array<i32>} : memref<2048xi32, #tpu.memory_space<vmem>>, vector<16xi32>,
        %get3A_138 = vector.shape_cast %get3A_137 : vector<16xi32> to vector<16xi32>
        %add3A_139 = arith.addi %get3A_138, %get3A_22 : vector<16xi32>
        %swap3A_140 = arith.index_cast %add3A_135 : i32 to index
        %swap3A_141 = tpu.vector_load %arg7[%swap3A_140] {strides = array<i32>} : memref<2048xi32, #tpu.memory_space<vmem>>, vector<16xi32>,
        %swap3A_142 = vector.shape_cast %swap3A_141 : vector<16xi32> to vector<16xi32>
        %swap3A_143 = vector.shape_cast %add3A_139 : vector<16xi32> to vector<16xi32>
        tpu.vector_store %arg7[%swap3A_140], %swap3A_143 {strides = array<i32>} : memref<2048xi32, #tpu.memory_space<vmem>>, vector<16xi32>,
        %add3A_144 = arith.constant 112 : i32
        %add3A_145 = arith.addi %mul3A_74, %add3A_144 : i32
        %get3A_146 = arith.index_cast %add3A_145 : i32 to index
        %get3A_147 = tpu.vector_load %arg6[%get3A_146] {strides = array<i32>} : memref<2048xi32, #tpu.memory_space<vmem>>, vector<16xi32>,
        %get3A_148 = vector.shape_cast %get3A_147 : vector<16xi32> to vector<16xi32>
        %add3A_149 = arith.addi %get3A_148, %get3A_22 : vector<16xi32>
        %swap3A_150 = arith.index_cast %add3A_145 : i32 to index
        %swap3A_151 = tpu.vector_load %arg7[%swap3A_150] {strides = array<i32>} : memref<2048xi32, #tpu.memory_space<vmem>>, vector<16xi32>,
        %swap3A_152 = vector.shape_cast %swap3A_151 : vector<16xi32> to vector<16xi32>
        %swap3A_153 = vector.shape_cast %add3A_149 : vector<16xi32> to vector<16xi32>
        tpu.vector_store %arg7[%swap3A_150], %swap3A_153 {strides = array<i32>} : memref<2048xi32, #tpu.memory_space<vmem>>, vector<16xi32>,
      }
      %scan3A_37 = arith.constant 16 : i32
      %dma_start3A = arith.constant 0 : i32
      %dma_start3A_38 = arith.constant 0 : i32
      %dma_start3A_39 = tpu.memref_slice %arg2[%dma_start3A, %dma_start3A_38] : memref<2600000x16xf32, #tpu.memory_space<hbm>> -> memref<2600000x16xf32, #tpu.memory_space<hbm>>
      tpu.enqueue_indirect_dma source(%dma_start3A_39 : memref<2600000x16xf32, #tpu.memory_space<hbm>>) target(%arg8 : memref<2048x16xf32, #tpu.memory_space<vmem>>) offsets(%arg7 : memref<2048xi32, #tpu.memory_space<vmem>>) semaphore(%arg11 : memref<!tpu.dma_semaphore, #tpu.memory_space<semaphore_mem>>)
      %dma_wait3A = arith.constant 0 : i32
      %dma_wait3A_40 = arith.constant 0 : i32
      %dma_wait3A_41 = tpu.memref_slice %arg2[%dma_wait3A, %dma_wait3A_40] : memref<2600000x16xf32, #tpu.memory_space<hbm>> -> memref<2600000x16xf32, #tpu.memory_space<hbm>>
      tpu.wait_indirect_dma semaphore(%arg11 : memref<!tpu.dma_semaphore, #tpu.memory_space<semaphore_mem>>) src(%dma_wait3A_41 : memref<2600000x16xf32, #tpu.memory_space<hbm>>) dst(%arg8 : memref<2048x16xf32, #tpu.memory_space<vmem>>)
      %scan3A_42 = arith.constant 0 : i32
      %scan3A_43 = arith.constant 0 : i32
      %scan3A_44 = arith.constant 256 : i32
      %scan3A_45 = arith.addi %scan3A_43, %scan3A_44 : i32
      %scan3A_46 = arith.constant 1 : i32
      scf.for %scan3A_72 = %scan3A_43 to %scan3A_45 step %scan3A_46  : i32 {
        %mul3A_73 = arith.constant 8 : i32
        %mul3A_74 = arith.muli %scan3A_72, %mul3A_73 : i32
        %add3A_75 = arith.constant 0 : i32
        %add3A_76 = arith.addi %mul3A_74, %add3A_75 : i32
        %get3A_77 = arith.index_cast %add3A_76 : i32 to index
        %get3A_78 = arith.constant 0 : index
        %get3A_79 = tpu.vector_load %arg8[%get3A_77, %get3A_78] {strides = array<i32>} : memref<2048x16xf32, #tpu.memory_space<vmem>>, vector<1x16xf32>,
        %get3A_80 = vector.shape_cast %get3A_79 : vector<1x16xf32> to vector<16xf32>
        %swap3A = arith.index_cast %scan3A_72 : i32 to index
        %swap3A_81 = arith.constant 0 : index
        %swap3A_82 = tpu.vector_load %arg9[%swap3A, %swap3A_81] {strides = array<i32>} : memref<256x128xf32, #tpu.memory_space<vmem>>, vector<1x16xf32>,
        %swap3A_83 = vector.shape_cast %swap3A_82 : vector<1x16xf32> to vector<16xf32>
        %swap3A_84 = vector.shape_cast %get3A_80 : vector<16xf32> to vector<1x16xf32>
        tpu.vector_store %arg9[%swap3A, %swap3A_81], %swap3A_84 {strides = array<i32>} : memref<256x128xf32, #tpu.memory_space<vmem>>, vector<1x16xf32>,
        %mul3A_85 = arith.constant 8 : i32
        %mul3A_86 = arith.muli %scan3A_72, %mul3A_85 : i32
        %add3A_87 = arith.constant 1 : i32
        %add3A_88 = arith.addi %mul3A_86, %add3A_87 : i32
        %get3A_89 = arith.index_cast %add3A_88 : i32 to index
        %get3A_90 = arith.constant 0 : index
        %get3A_91 = tpu.vector_load %arg8[%get3A_89, %get3A_90] {strides = array<i32>} : memref<2048x16xf32, #tpu.memory_space<vmem>>, vector<1x16xf32>,
        %get3A_92 = vector.shape_cast %get3A_91 : vector<1x16xf32> to vector<16xf32>
        %swap3A_93 = arith.index_cast %scan3A_72 : i32 to index
        %swap3A_94 = arith.constant 16 : index
        %swap3A_95 = tpu.vector_load %arg9[%swap3A_93, %swap3A_94] {strides = array<i32>} : memref<256x128xf32, #tpu.memory_space<vmem>>, vector<1x16xf32>,
        %swap3A_96 = vector.shape_cast %swap3A_95 : vector<1x16xf32> to vector<16xf32>
        %swap3A_97 = vector.shape_cast %get3A_92 : vector<16xf32> to vector<1x16xf32>
        tpu.vector_store %arg9[%swap3A_93, %swap3A_94], %swap3A_97 {strides = array<i32>} : memref<256x128xf32, #tpu.memory_space<vmem>>, vector<1x16xf32>,
        %mul3A_98 = arith.constant 8 : i32
        %mul3A_99 = arith.muli %scan3A_72, %mul3A_98 : i32
        %add3A_100 = arith.constant 2 : i32
        %add3A_101 = arith.addi %mul3A_99, %add3A_100 : i32
        %get3A_102 = arith.index_cast %add3A_101 : i32 to index
        %get3A_103 = arith.constant 0 : index
        %get3A_104 = tpu.vector_load %arg8[%get3A_102, %get3A_103] {strides = array<i32>} : memref<2048x16xf32, #tpu.memory_space<vmem>>, vector<1x16xf32>,
        %get3A_105 = vector.shape_cast %get3A_104 : vector<1x16xf32> to vector<16xf32>
        %swap3A_106 = arith.index_cast %scan3A_72 : i32 to index
        %swap3A_107 = arith.constant 32 : index
        %swap3A_108 = tpu.vector_load %arg9[%swap3A_106, %swap3A_107] {strides = array<i32>} : memref<256x128xf32, #tpu.memory_space<vmem>>, vector<1x16xf32>,
        %swap3A_109 = vector.shape_cast %swap3A_108 : vector<1x16xf32> to vector<16xf32>
        %swap3A_110 = vector.shape_cast %get3A_105 : vector<16xf32> to vector<1x16xf32>
        tpu.vector_store %arg9[%swap3A_106, %swap3A_107], %swap3A_110 {strides = array<i32>} : memref<256x128xf32, #tpu.memory_space<vmem>>, vector<1x16xf32>,
        %mul3A_111 = arith.constant 8 : i32
        %mul3A_112 = arith.muli %scan3A_72, %mul3A_111 : i32
        %add3A_113 = arith.constant 3 : i32
        %add3A_114 = arith.addi %mul3A_112, %add3A_113 : i32
        %get3A_115 = arith.index_cast %add3A_114 : i32 to index
        %get3A_116 = arith.constant 0 : index
        %get3A_117 = tpu.vector_load %arg8[%get3A_115, %get3A_116] {strides = array<i32>} : memref<2048x16xf32, #tpu.memory_space<vmem>>, vector<1x16xf32>,
        %get3A_118 = vector.shape_cast %get3A_117 : vector<1x16xf32> to vector<16xf32>
        %swap3A_119 = arith.index_cast %scan3A_72 : i32 to index
        %swap3A_120 = arith.constant 48 : index
        %swap3A_121 = tpu.vector_load %arg9[%swap3A_119, %swap3A_120] {strides = array<i32>} : memref<256x128xf32, #tpu.memory_space<vmem>>, vector<1x16xf32>,
        %swap3A_122 = vector.shape_cast %swap3A_121 : vector<1x16xf32> to vector<16xf32>
        %swap3A_123 = vector.shape_cast %get3A_118 : vector<16xf32> to vector<1x16xf32>
        tpu.vector_store %arg9[%swap3A_119, %swap3A_120], %swap3A_123 {strides = array<i32>} : memref<256x128xf32, #tpu.memory_space<vmem>>, vector<1x16xf32>,
        %mul3A_124 = arith.constant 8 : i32
        %mul3A_125 = arith.muli %scan3A_72, %mul3A_124 : i32
        %add3A_126 = arith.constant 4 : i32
        %add3A_127 = arith.addi %mul3A_125, %add3A_126 : i32
        %get3A_128 = arith.index_cast %add3A_127 : i32 to index
        %get3A_129 = arith.constant 0 : index
        %get3A_130 = tpu.vector_load %arg8[%get3A_128, %get3A_129] {strides = array<i32>} : memref<2048x16xf32, #tpu.memory_space<vmem>>, vector<1x16xf32>,
        %get3A_131 = vector.shape_cast %get3A_130 : vector<1x16xf32> to vector<16xf32>
        %swap3A_132 = arith.index_cast %scan3A_72 : i32 to index
        %swap3A_133 = arith.constant 64 : index
        %swap3A_134 = tpu.vector_load %arg9[%swap3A_132, %swap3A_133] {strides = array<i32>} : memref<256x128xf32, #tpu.memory_space<vmem>>, vector<1x16xf32>,
        %swap3A_135 = vector.shape_cast %swap3A_134 : vector<1x16xf32> to vector<16xf32>
        %swap3A_136 = vector.shape_cast %get3A_131 : vector<16xf32> to vector<1x16xf32>
        tpu.vector_store %arg9[%swap3A_132, %swap3A_133], %swap3A_136 {strides = array<i32>} : memref<256x128xf32, #tpu.memory_space<vmem>>, vector<1x16xf32>,
        %mul3A_137 = arith.constant 8 : i32
        %mul3A_138 = arith.muli %scan3A_72, %mul3A_137 : i32
        %add3A_139 = arith.constant 5 : i32
        %add3A_140 = arith.addi %mul3A_138, %add3A_139 : i32
        %get3A_141 = arith.index_cast %add3A_140 : i32 to index
        %get3A_142 = arith.constant 0 : index
        %get3A_143 = tpu.vector_load %arg8[%get3A_141, %get3A_142] {strides = array<i32>} : memref<2048x16xf32, #tpu.memory_space<vmem>>, vector<1x16xf32>,
        %get3A_144 = vector.shape_cast %get3A_143 : vector<1x16xf32> to vector<16xf32>
        %swap3A_145 = arith.index_cast %scan3A_72 : i32 to index
        %swap3A_146 = arith.constant 80 : index
        %swap3A_147 = tpu.vector_load %arg9[%swap3A_145, %swap3A_146] {strides = array<i32>} : memref<256x128xf32, #tpu.memory_space<vmem>>, vector<1x16xf32>,
        %swap3A_148 = vector.shape_cast %swap3A_147 : vector<1x16xf32> to vector<16xf32>
        %swap3A_149 = vector.shape_cast %get3A_144 : vector<16xf32> to vector<1x16xf32>
        tpu.vector_store %arg9[%swap3A_145, %swap3A_146], %swap3A_149 {strides = array<i32>} : memref<256x128xf32, #tpu.memory_space<vmem>>, vector<1x16xf32>,
        %mul3A_150 = arith.constant 8 : i32
        %mul3A_151 = arith.muli %scan3A_72, %mul3A_150 : i32
        %add3A_152 = arith.constant 6 : i32
        %add3A_153 = arith.addi %mul3A_151, %add3A_152 : i32
        %get3A_154 = arith.index_cast %add3A_153 : i32 to index
        %get3A_155 = arith.constant 0 : index
        %get3A_156 = tpu.vector_load %arg8[%get3A_154, %get3A_155] {strides = array<i32>} : memref<2048x16xf32, #tpu.memory_space<vmem>>, vector<1x16xf32>,
        %get3A_157 = vector.shape_cast %get3A_156 : vector<1x16xf32> to vector<16xf32>
        %swap3A_158 = arith.index_cast %scan3A_72 : i32 to index
        %swap3A_159 = arith.constant 96 : index
        %swap3A_160 = tpu.vector_load %arg9[%swap3A_158, %swap3A_159] {strides = array<i32>} : memref<256x128xf32, #tpu.memory_space<vmem>>, vector<1x16xf32>,
        %swap3A_161 = vector.shape_cast %swap3A_160 : vector<1x16xf32> to vector<16xf32>
        %swap3A_162 = vector.shape_cast %get3A_157 : vector<16xf32> to vector<1x16xf32>
        tpu.vector_store %arg9[%swap3A_158, %swap3A_159], %swap3A_162 {strides = array<i32>} : memref<256x128xf32, #tpu.memory_space<vmem>>, vector<1x16xf32>,
        %mul3A_163 = arith.constant 8 : i32
        %mul3A_164 = arith.muli %scan3A_72, %mul3A_163 : i32
        %add3A_165 = arith.constant 7 : i32
        %add3A_166 = arith.addi %mul3A_164, %add3A_165 : i32
        %get3A_167 = arith.index_cast %add3A_166 : i32 to index
        %get3A_168 = arith.constant 0 : index
        %get3A_169 = tpu.vector_load %arg8[%get3A_167, %get3A_168] {strides = array<i32>} : memref<2048x16xf32, #tpu.memory_space<vmem>>, vector<1x16xf32>,
        %get3A_170 = vector.shape_cast %get3A_169 : vector<1x16xf32> to vector<16xf32>
        %swap3A_171 = arith.index_cast %scan3A_72 : i32 to index
        %swap3A_172 = arith.constant 112 : index
        %swap3A_173 = tpu.vector_load %arg9[%swap3A_171, %swap3A_172] {strides = array<i32>} : memref<256x128xf32, #tpu.memory_space<vmem>>, vector<1x16xf32>,
        %swap3A_174 = vector.shape_cast %swap3A_173 : vector<1x16xf32> to vector<16xf32>
        %swap3A_175 = vector.shape_cast %get3A_170 : vector<16xf32> to vector<1x16xf32>
        tpu.vector_store %arg9[%swap3A_171, %swap3A_172], %swap3A_175 {strides = array<i32>} : memref<256x128xf32, #tpu.memory_space<vmem>>, vector<1x16xf32>,
      }
      %scan3A_47 = arith.constant 256 : i32
      %jit3A_48 = arith.constant 8 : i32
      %div3A_49 = arith.divsi %add3A_31, %jit3A_48 : i32
      %sign3A_50 = arith.constant 0 : i32
      %sign3A_51 = arith.cmpi sgt, %add3A_31, %sign3A_50 : i32
      %sign3A_52 = arith.extui %sign3A_51 : i1 to i32
      %sign3A_53 = arith.constant 0 : i32
      %sign3A_54 = arith.cmpi slt, %add3A_31, %sign3A_53 : i32
      %sign3A_55 = arith.extui %sign3A_54 : i1 to i32
      %sign3A_56 = arith.subi %sign3A_52, %sign3A_55 : i32
      %sign3A_57 = arith.constant 0 : i32
      %sign3A_58 = arith.cmpi sgt, %jit3A_48, %sign3A_57 : i32
      %sign3A_59 = arith.extui %sign3A_58 : i1 to i32
      %sign3A_60 = arith.constant 0 : i32
      %sign3A_61 = arith.cmpi slt, %jit3A_48, %sign3A_60 : i32
      %sign3A_62 = arith.extui %sign3A_61 : i1 to i32
      %sign3A_63 = arith.subi %sign3A_59, %sign3A_62 : i32
      %ne3A_64 = arith.cmpi ne, %sign3A_56, %sign3A_63 : i32
      %rem3A_65 = arith.remsi %add3A_31, %jit3A_48 : i32
      %ne3A_66 = arith.constant 0 : i32
      %ne3A_67 = arith.cmpi ne, %rem3A_65, %ne3A_66 : i32
      %and3A_68 = arith.andi %ne3A_64, %ne3A_67 : i1
      %sub3A_69 = arith.constant 1 : i32
      %sub3A_70 = arith.subi %div3A_49, %sub3A_69 : i32
      %select_n3A_71 = arith.select %and3A_68, %sub3A_70, %div3A_49 : i32
      "tpu.region"() ({
        %run_scoped3A = tpu.sem_alloc : memref<!tpu.dma_semaphore, #tpu.memory_space<semaphore_mem>>
        %dma_start3A_72 = arith.constant 0 : i32
        %dma_start3A_73 = tpu.memref_slice %arg5[%select_n3A_71, %dma_start3A_72] : memref<65536x128xf32, #tpu.memory_space<hbm>> -> memref<256x128xf32, #tpu.memory_space<hbm>>
        %dma_start3A_74 = arith.constant 0 : i32
        %dma_start3A_75 = tpu.memref_slice %arg5[%select_n3A_71, %dma_start3A_74] : memref<65536x128xf32, #tpu.memory_space<hbm>> -> memref<256x128xf32, #tpu.memory_space<hbm>>
        tpu.enqueue_dma source(%arg9 : memref<256x128xf32, #tpu.memory_space<vmem>>) target(%dma_start3A_75 : memref<256x128xf32, #tpu.memory_space<hbm>>) target_semaphore(%run_scoped3A : memref<!tpu.dma_semaphore, #tpu.memory_space<semaphore_mem>>)
        %dma_wait3A_76 = arith.constant 0 : i32
        %dma_wait3A_77 = tpu.memref_slice %arg5[%select_n3A_71, %dma_wait3A_76] : memref<65536x128xf32, #tpu.memory_space<hbm>> -> memref<256x128xf32, #tpu.memory_space<hbm>>
        %dma_wait3A_78 = arith.constant 0 : i32
        %dma_wait3A_79 = tpu.memref_slice %arg5[%select_n3A_71, %dma_wait3A_78] : memref<65536x128xf32, #tpu.memory_space<hbm>> -> memref<256x128xf32, #tpu.memory_space<hbm>>
        tpu.wait_dma2 semaphore(%run_scoped3A : memref<!tpu.dma_semaphore, #tpu.memory_space<semaphore_mem>>) src(%arg9 : memref<256x128xf32, #tpu.memory_space<vmem>>) dst(%dma_wait3A_79 : memref<256x128xf32, #tpu.memory_space<hbm>>)
        tpu.yield
      }) : () -> ()
    }
    %scan3A_27 = arith.constant 8 : i32
    return
  }
}

module attributes {stable_mosaic.version = 14 : i64} {
  func.func @_mlp_body(%arg0: i32, %arg1: memref<1024x13xf32, #tpu.memory_space<vmem>>, %arg2: memref<1024x128xf32, #tpu.memory_space<vmem>>, %arg3: memref<1024x128xf32, #tpu.memory_space<vmem>>, %arg4: memref<1024x128xf32, #tpu.memory_space<vmem>>, %arg5: memref<1024x128xf32, #tpu.memory_space<vmem>>, %arg6: memref<13x256xf32, #tpu.memory_space<vmem>>, %arg7: memref<512x256xf32, #tpu.memory_space<vmem>>, %arg8: memref<1x256xf32, #tpu.memory_space<vmem>>, %arg9: memref<256x128xf32, #tpu.memory_space<vmem>>, %arg10: memref<1x128xf32, #tpu.memory_space<vmem>>, %arg11: memref<128x64xf32, #tpu.memory_space<vmem>>, %arg12: memref<1x64xf32, #tpu.memory_space<vmem>>, %arg13: memref<1x64xf32, #tpu.memory_space<vmem>>, %arg14: memref<1x13xf32, #tpu.memory_space<vmem>>, %arg15: memref<1x1xf32, #tpu.memory_space<vmem>>, %arg16: memref<1024x1xf32, #tpu.memory_space<vmem>>) attributes {dimension_semantics = [#tpu.dimension_semantics<arbitrary>], iteration_bounds = array<i64: 16>, scalar_prefetch = 0 : i64, scratch_operands = 0 : i64, tpu.core_type = #tpu.core_type<tc>, window_params = [{transform_indices = @transform_0, window_bounds = array<i64: 1024, 13>}, {transform_indices = @transform_1, window_bounds = array<i64: 1024, 128>}, {transform_indices = @transform_2, window_bounds = array<i64: 1024, 128>}, {transform_indices = @transform_3, window_bounds = array<i64: 1024, 128>}, {transform_indices = @transform_4, window_bounds = array<i64: 1024, 128>}, {pipeline_mode = #tpu.pipeline_mode<synchronous>, transform_indices = @transform_5, window_bounds = array<i64: 13, 256>}, {pipeline_mode = #tpu.pipeline_mode<synchronous>, transform_indices = @transform_6, window_bounds = array<i64: 512, 256>}, {pipeline_mode = #tpu.pipeline_mode<synchronous>, transform_indices = @transform_7, window_bounds = array<i64: 1, 256>}, {pipeline_mode = #tpu.pipeline_mode<synchronous>, transform_indices = @transform_8, window_bounds = array<i64: 256, 128>}, {pipeline_mode = #tpu.pipeline_mode<synchronous>, transform_indices = @transform_9, window_bounds = array<i64: 1, 128>}, {pipeline_mode = #tpu.pipeline_mode<synchronous>, transform_indices = @transform_10, window_bounds = array<i64: 128, 64>}, {pipeline_mode = #tpu.pipeline_mode<synchronous>, transform_indices = @transform_11, window_bounds = array<i64: 1, 64>}, {pipeline_mode = #tpu.pipeline_mode<synchronous>, transform_indices = @transform_12, window_bounds = array<i64: 1, 64>}, {pipeline_mode = #tpu.pipeline_mode<synchronous>, transform_indices = @transform_13, window_bounds = array<i64: 1, 13>}, {pipeline_mode = #tpu.pipeline_mode<synchronous>, transform_indices = @transform_14, window_bounds = array<i64: 1, 1>}, {transform_indices = @transform_15, window_bounds = array<i64: 1024, 1>}]} {
    %get3A = arith.constant 0 : index
    %get3A_0 = arith.constant 0 : index
    %get3A_1 = vector.load %arg1[%get3A, %get3A_0] : memref<1024x13xf32, #tpu.memory_space<vmem>>, vector<1024x13xf32>
    %get3A_2 = arith.constant 0 : index
    %get3A_3 = arith.constant 0 : index
    %get3A_4 = vector.load %arg6[%get3A_2, %get3A_3] : memref<13x256xf32, #tpu.memory_space<vmem>>, vector<13x256xf32>
    %dot_general3A = arith.constant dense<0.000000e+00> : vector<1024x256xf32>
    %dot_general3A_5 = tpu.matmul %get3A_1, %get3A_4, %dot_general3A {dimension_numbers = #tpu.dot_dimension_numbers<[1], [0], [0], [1], [0, 0, 1, 1], [], []>, transpose_lhs_hint = false} : vector<1024x13xf32>, vector<13x256xf32>, vector<1024x256xf32> -> vector<1024x256xf32>
    %get3A_6 = arith.constant 0 : index
    %get3A_7 = arith.constant 0 : index
    %get3A_8 = vector.load %arg2[%get3A_6, %get3A_7] : memref<1024x128xf32, #tpu.memory_space<vmem>>, vector<1024x128xf32>
    %get3A_9 = arith.constant 0 : index
    %get3A_10 = arith.constant 0 : index
    %get3A_11 = vector.load %arg7[%get3A_9, %get3A_10] : memref<512x256xf32, #tpu.memory_space<vmem>>, vector<128x256xf32>
    %dot_general3A_12 = arith.constant dense<0.000000e+00> : vector<1024x256xf32>
    %dot_general3A_13 = tpu.matmul %get3A_8, %get3A_11, %dot_general3A_12 {dimension_numbers = #tpu.dot_dimension_numbers<[1], [0], [0], [1], [0, 0, 1, 1], [], []>, transpose_lhs_hint = false} : vector<1024x128xf32>, vector<128x256xf32>, vector<1024x256xf32> -> vector<1024x256xf32>
    %add3A = arith.addf %dot_general3A_5, %dot_general3A_13 : vector<1024x256xf32>
    %get3A_14 = arith.constant 0 : index
    %get3A_15 = arith.constant 0 : index
    %get3A_16 = vector.load %arg3[%get3A_14, %get3A_15] : memref<1024x128xf32, #tpu.memory_space<vmem>>, vector<1024x128xf32>
    %get3A_17 = arith.constant 128 : index
    %get3A_18 = arith.constant 0 : index
    %get3A_19 = vector.load %arg7[%get3A_17, %get3A_18] : memref<512x256xf32, #tpu.memory_space<vmem>>, vector<128x256xf32>
    %dot_general3A_20 = arith.constant dense<0.000000e+00> : vector<1024x256xf32>
    %dot_general3A_21 = tpu.matmul %get3A_16, %get3A_19, %dot_general3A_20 {dimension_numbers = #tpu.dot_dimension_numbers<[1], [0], [0], [1], [0, 0, 1, 1], [], []>, transpose_lhs_hint = false} : vector<1024x128xf32>, vector<128x256xf32>, vector<1024x256xf32> -> vector<1024x256xf32>
    %add3A_22 = arith.addf %add3A, %dot_general3A_21 : vector<1024x256xf32>
    %get3A_23 = arith.constant 0 : index
    %get3A_24 = arith.constant 0 : index
    %get3A_25 = vector.load %arg4[%get3A_23, %get3A_24] : memref<1024x128xf32, #tpu.memory_space<vmem>>, vector<1024x128xf32>
    %get3A_26 = arith.constant 256 : index
    %get3A_27 = arith.constant 0 : index
    %get3A_28 = vector.load %arg7[%get3A_26, %get3A_27] : memref<512x256xf32, #tpu.memory_space<vmem>>, vector<128x256xf32>
    %dot_general3A_29 = arith.constant dense<0.000000e+00> : vector<1024x256xf32>
    %dot_general3A_30 = tpu.matmul %get3A_25, %get3A_28, %dot_general3A_29 {dimension_numbers = #tpu.dot_dimension_numbers<[1], [0], [0], [1], [0, 0, 1, 1], [], []>, transpose_lhs_hint = false} : vector<1024x128xf32>, vector<128x256xf32>, vector<1024x256xf32> -> vector<1024x256xf32>
    %add3A_31 = arith.addf %add3A_22, %dot_general3A_30 : vector<1024x256xf32>
    %get3A_32 = arith.constant 0 : index
    %get3A_33 = arith.constant 0 : index
    %get3A_34 = vector.load %arg5[%get3A_32, %get3A_33] : memref<1024x128xf32, #tpu.memory_space<vmem>>, vector<1024x128xf32>
    %get3A_35 = arith.constant 384 : index
    %get3A_36 = arith.constant 0 : index
    %get3A_37 = vector.load %arg7[%get3A_35, %get3A_36] : memref<512x256xf32, #tpu.memory_space<vmem>>, vector<128x256xf32>
    %dot_general3A_38 = arith.constant dense<0.000000e+00> : vector<1024x256xf32>
    %dot_general3A_39 = tpu.matmul %get3A_34, %get3A_37, %dot_general3A_38 {dimension_numbers = #tpu.dot_dimension_numbers<[1], [0], [0], [1], [0, 0, 1, 1], [], []>, transpose_lhs_hint = false} : vector<1024x128xf32>, vector<128x256xf32>, vector<1024x256xf32> -> vector<1024x256xf32>
    %add3A_40 = arith.addf %add3A_31, %dot_general3A_39 : vector<1024x256xf32>
    %get3A_41 = arith.constant 0 : index
    %get3A_42 = arith.constant 0 : index
    %get3A_43 = vector.load %arg8[%get3A_41, %get3A_42] : memref<1x256xf32, #tpu.memory_space<vmem>>, vector<1x256xf32>
    %add3A_44 = vector.broadcast %get3A_43 : vector<1x256xf32> to vector<1024x256xf32>
    %add3A_45 = arith.addf %add3A_40, %add3A_44 : vector<1024x256xf32>
    %max3A = arith.constant 0.000000e+00 : f32
    %max3A_46 = vector.broadcast %max3A : f32 to vector<1024x256xf32>
    %max3A_47 = arith.maximumf %add3A_45, %max3A_46 : vector<1024x256xf32>
    %get3A_48 = arith.constant 0 : index
    %get3A_49 = arith.constant 0 : index
    %get3A_50 = vector.load %arg9[%get3A_48, %get3A_49] : memref<256x128xf32, #tpu.memory_space<vmem>>, vector<256x128xf32>
    %dot_general3A_51 = arith.constant dense<0.000000e+00> : vector<1024x128xf32>
    %dot_general3A_52 = tpu.matmul %max3A_47, %get3A_50, %dot_general3A_51 {dimension_numbers = #tpu.dot_dimension_numbers<[1], [0], [0], [1], [0, 0, 1, 1], [], []>, transpose_lhs_hint = false} : vector<1024x256xf32>, vector<256x128xf32>, vector<1024x128xf32> -> vector<1024x128xf32>
    %get3A_53 = arith.constant 0 : index
    %get3A_54 = arith.constant 0 : index
    %get3A_55 = vector.load %arg10[%get3A_53, %get3A_54] : memref<1x128xf32, #tpu.memory_space<vmem>>, vector<1x128xf32>
    %add3A_56 = vector.broadcast %get3A_55 : vector<1x128xf32> to vector<1024x128xf32>
    %add3A_57 = arith.addf %dot_general3A_52, %add3A_56 : vector<1024x128xf32>
    %max3A_58 = arith.constant 0.000000e+00 : f32
    %max3A_59 = vector.broadcast %max3A_58 : f32 to vector<1024x128xf32>
    %max3A_60 = arith.maximumf %add3A_57, %max3A_59 : vector<1024x128xf32>
    %get3A_61 = arith.constant 0 : index
    %get3A_62 = arith.constant 0 : index
    %get3A_63 = vector.load %arg11[%get3A_61, %get3A_62] : memref<128x64xf32, #tpu.memory_space<vmem>>, vector<128x64xf32>
    %dot_general3A_64 = arith.constant dense<0.000000e+00> : vector<1024x64xf32>
    %dot_general3A_65 = tpu.matmul %max3A_60, %get3A_63, %dot_general3A_64 {dimension_numbers = #tpu.dot_dimension_numbers<[1], [0], [0], [1], [0, 0, 1, 1], [], []>, transpose_lhs_hint = false} : vector<1024x128xf32>, vector<128x64xf32>, vector<1024x64xf32> -> vector<1024x64xf32>
    %get3A_66 = arith.constant 0 : index
    %get3A_67 = arith.constant 0 : index
    %get3A_68 = vector.load %arg12[%get3A_66, %get3A_67] : memref<1x64xf32, #tpu.memory_space<vmem>>, vector<1x64xf32>
    %add3A_69 = vector.broadcast %get3A_68 : vector<1x64xf32> to vector<1024x64xf32>
    %add3A_70 = arith.addf %dot_general3A_65, %add3A_69 : vector<1024x64xf32>
    %max3A_71 = arith.constant 0.000000e+00 : f32
    %max3A_72 = vector.broadcast %max3A_71 : f32 to vector<1024x64xf32>
    %max3A_73 = arith.maximumf %add3A_70, %max3A_72 : vector<1024x64xf32>
    %get3A_74 = arith.constant 0 : index
    %get3A_75 = arith.constant 0 : index
    %get3A_76 = vector.load %arg13[%get3A_74, %get3A_75] : memref<1x64xf32, #tpu.memory_space<vmem>>, vector<1x64xf32>
    %mul3A = vector.broadcast %get3A_76 : vector<1x64xf32> to vector<1024x64xf32>
    %mul3A_77 = arith.mulf %max3A_73, %mul3A : vector<1024x64xf32>
    %reduce_sum3A = arith.constant dense<0.000000e+00> : vector<1024xf32>
    %reduce_sum3A_78 = vector.multi_reduction <add>, %mul3A_77, %reduce_sum3A [1] : vector<1024x64xf32> to vector<1024xf32>
    %broadcast_in_dim3A = vector.shape_cast %reduce_sum3A_78 : vector<1024xf32> to vector<1024x1xf32>
    %get3A_79 = arith.constant 0 : index
    %get3A_80 = arith.constant 0 : index
    %get3A_81 = vector.load %arg14[%get3A_79, %get3A_80] : memref<1x13xf32, #tpu.memory_space<vmem>>, vector<1x13xf32>
    %mul3A_82 = vector.broadcast %get3A_81 : vector<1x13xf32> to vector<1024x13xf32>
    %mul3A_83 = arith.mulf %get3A_1, %mul3A_82 : vector<1024x13xf32>
    %reduce_sum3A_84 = arith.constant dense<0.000000e+00> : vector<1024xf32>
    %reduce_sum3A_85 = vector.multi_reduction <add>, %mul3A_83, %reduce_sum3A_84 [1] : vector<1024x13xf32> to vector<1024xf32>
    %broadcast_in_dim3A_86 = vector.shape_cast %reduce_sum3A_85 : vector<1024xf32> to vector<1024x1xf32>
    %add3A_87 = arith.addf %broadcast_in_dim3A_86, %broadcast_in_dim3A : vector<1024x1xf32>
    %mul3A_88 = arith.constant 5.000000e-01 : f32
    %mul3A_89 = vector.broadcast %mul3A_88 : f32 to vector<1024x1xf32>
    %mul3A_90 = arith.mulf %mul3A_89, %add3A_87 : vector<1024x1xf32>
    %get3A_91 = arith.constant 0 : index
    %get3A_92 = arith.constant 0 : index
    %get3A_93 = vector.load %arg15[%get3A_91, %get3A_92] : memref<1x1xf32, #tpu.memory_space<vmem>>, vector<1x1xf32>
    %add3A_94 = vector.broadcast %get3A_93 : vector<1x1xf32> to vector<1024x1xf32>
    %add3A_95 = arith.addf %mul3A_90, %add3A_94 : vector<1024x1xf32>
    %neg3A = arith.constant 0.000000e+00 : f32
    %neg3A_96 = vector.broadcast %neg3A : f32 to vector<1024x1xf32>
    %neg3A_97 = arith.subf %neg3A_96, %add3A_95 : vector<1024x1xf32>
    %exp3A = math.exp %neg3A_97 : vector<1024x1xf32>
    %add3A_98 = arith.constant 1.000000e+00 : f32
    %add3A_99 = vector.broadcast %add3A_98 : f32 to vector<1024x1xf32>
    %add3A_100 = arith.addf %add3A_99, %exp3A : vector<1024x1xf32>
    %div3A = arith.constant 1.000000e+00 : f32
    %div3A_101 = vector.broadcast %div3A : f32 to vector<1024x1xf32>
    %div3A_102 = arith.divf %div3A_101, %add3A_100 : vector<1024x1xf32>
    %swap3A = arith.constant 0 : index
    %swap3A_103 = arith.constant 0 : index
    %swap3A_104 = vector.load %arg16[%swap3A, %swap3A_103] : memref<1024x1xf32, #tpu.memory_space<vmem>>, vector<1024x1xf32>
    tpu.vector_store %arg16[%swap3A, %swap3A_103], %div3A_102 {strides = array<i32>} : memref<1024x1xf32, #tpu.memory_space<vmem>>, vector<1024x1xf32>,
    return
  }
  func.func @transform_0(%arg0: i32) -> (i32, i32) {
    %c0_i32 = arith.constant 0 : i32
    %c0_i32_0 = arith.constant 0 : i32
    return %arg0, %c0_i32 : i32, i32
  }
  func.func @transform_1(%arg0: i32) -> (i32, i32) {
    %add3A = arith.constant 0 : i32
    %add3A_0 = arith.addi %add3A, %arg0 : i32
    %c0_i32 = arith.constant 0 : i32
    %c0_i32_1 = arith.constant 0 : i32
    return %add3A_0, %c0_i32 : i32, i32
  }
  func.func @transform_2(%arg0: i32) -> (i32, i32) {
    %add3A = arith.constant 16 : i32
    %add3A_0 = arith.addi %add3A, %arg0 : i32
    %c0_i32 = arith.constant 0 : i32
    %c0_i32_1 = arith.constant 0 : i32
    return %add3A_0, %c0_i32 : i32, i32
  }
  func.func @transform_3(%arg0: i32) -> (i32, i32) {
    %add3A = arith.constant 32 : i32
    %add3A_0 = arith.addi %add3A, %arg0 : i32
    %c0_i32 = arith.constant 0 : i32
    %c0_i32_1 = arith.constant 0 : i32
    return %add3A_0, %c0_i32 : i32, i32
  }
  func.func @transform_4(%arg0: i32) -> (i32, i32) {
    %add3A = arith.constant 48 : i32
    %add3A_0 = arith.addi %add3A, %arg0 : i32
    %c0_i32 = arith.constant 0 : i32
    %c0_i32_1 = arith.constant 0 : i32
    return %add3A_0, %c0_i32 : i32, i32
  }
  func.func @transform_5(%arg0: i32) -> (i32, i32) {
    %c0_i32 = arith.constant 0 : i32
    %c0_i32_0 = arith.constant 0 : i32
    %c0_i32_1 = arith.constant 0 : i32
    return %c0_i32, %c0_i32_0 : i32, i32
  }
  func.func @transform_6(%arg0: i32) -> (i32, i32) {
    %c0_i32 = arith.constant 0 : i32
    %c0_i32_0 = arith.constant 0 : i32
    %c0_i32_1 = arith.constant 0 : i32
    return %c0_i32, %c0_i32_0 : i32, i32
  }
  func.func @transform_7(%arg0: i32) -> (i32, i32) {
    %c0_i32 = arith.constant 0 : i32
    %c0_i32_0 = arith.constant 0 : i32
    %c0_i32_1 = arith.constant 0 : i32
    return %c0_i32, %c0_i32_0 : i32, i32
  }
  func.func @transform_8(%arg0: i32) -> (i32, i32) {
    %c0_i32 = arith.constant 0 : i32
    %c0_i32_0 = arith.constant 0 : i32
    %c0_i32_1 = arith.constant 0 : i32
    return %c0_i32, %c0_i32_0 : i32, i32
  }
  func.func @transform_9(%arg0: i32) -> (i32, i32) {
    %c0_i32 = arith.constant 0 : i32
    %c0_i32_0 = arith.constant 0 : i32
    %c0_i32_1 = arith.constant 0 : i32
    return %c0_i32, %c0_i32_0 : i32, i32
  }
  func.func @transform_10(%arg0: i32) -> (i32, i32) {
    %c0_i32 = arith.constant 0 : i32
    %c0_i32_0 = arith.constant 0 : i32
    %c0_i32_1 = arith.constant 0 : i32
    return %c0_i32, %c0_i32_0 : i32, i32
  }
  func.func @transform_11(%arg0: i32) -> (i32, i32) {
    %c0_i32 = arith.constant 0 : i32
    %c0_i32_0 = arith.constant 0 : i32
    %c0_i32_1 = arith.constant 0 : i32
    return %c0_i32, %c0_i32_0 : i32, i32
  }
  func.func @transform_12(%arg0: i32) -> (i32, i32) {
    %c0_i32 = arith.constant 0 : i32
    %c0_i32_0 = arith.constant 0 : i32
    %c0_i32_1 = arith.constant 0 : i32
    return %c0_i32, %c0_i32_0 : i32, i32
  }
  func.func @transform_13(%arg0: i32) -> (i32, i32) {
    %c0_i32 = arith.constant 0 : i32
    %c0_i32_0 = arith.constant 0 : i32
    %c0_i32_1 = arith.constant 0 : i32
    return %c0_i32, %c0_i32_0 : i32, i32
  }
  func.func @transform_14(%arg0: i32) -> (i32, i32) {
    %c0_i32 = arith.constant 0 : i32
    %c0_i32_0 = arith.constant 0 : i32
    %c0_i32_1 = arith.constant 0 : i32
    return %c0_i32, %c0_i32_0 : i32, i32
  }
  func.func @transform_15(%arg0: i32) -> (i32, i32) {
    %c0_i32 = arith.constant 0 : i32
    %c0_i32_0 = arith.constant 0 : i32
    return %arg0, %c0_i32 : i32, i32
  }
}

</mosaic_0001>

<sc_bundles>
// kernel: kernel.4.cloned.1.call-start
scs
__scs_entry_jumppad:
0x0: {  	(pc) =	sbr.rel $0x88, $3  }
0x1: {  	(tag) =	ssettag $0x0;
	lr =	simm.s32 $0x1  }
0x2: {  	[smem:$0x3F94] =	sst lr;
	_ =	strace $0xD0000000  }
0x3: {  	_ = 	snop  }
0x4: {  	_ = 	snop  }
0x5: {  	_ = 	snop  }
0x6: {  	_ = 	snop  }
0x7: {  	_ = 	snop  }
__scs_overlays_trampoline_lowered:
0x8: {  	[smem:$0x3FA3] =	sst s0  }
0x9: {  	[smem:$0x3FA4] =	sst s1  }
0xa: {  	[smem:$0x3FA5] =	sst s2  }
0xb: {  	[smem:$0x3FA6] =	sst s3  }
0xc: {  	[smem:$0x3FA7] =	sst s4  }
0xd: {  	[smem:$0x3FA8] =	sst s5  }
0xe: {  	[smem:$0x3FA9] =	sst s6  }
0xf: {  	[smem:$0x3FAA] =	sst s7  }
0x10: {  	[smem:$0x3FAB] =	sst s8  }
0x11: {  	[smem:$0x3FAC] =	sst s9;
	s0 =	simm.s32 @!p0 $0x0  }
0x12: {  	s1 =	sld [smem:$0x3F92];
	s0 =	simm.s32 @p0 $0x1  }
0x13: {  	[smem:$0x3FAD] =	sst s0;
	s0 =	simm.s32 @!p1 $0x0  }
0x14: {  	s2 =	sld [smem:$0x3F91];
	s0 =	simm.s32 @p1 $0x1  }
0x15: {  	[smem:$0x3FAE] =	sst s0;
	s0 =	simm.s32 @!p2 $0x0  }
0x16: {  	s3 =	sld [smem:$0x3FDB];
	s0 =	simm.s32 @p2 $0x1  }
0x17: {  	s4 =	simm.s32 $0x1BF5;
	[smem:$0x3FB0] =	sst s0  }
0x18: {  	s0 =	sld [smem:$0x3F93];
	_ =	swait.ge [sflag:s4], $0x0  }
0x19: {  	s7 =	sld [smem:$0x3F94]  }
0x1a: {  	s8 =	sadd.s32 $0xFFFFE003, lr  }
0x1b: {  	s9 =	sadd.s32 $0xFFFFFEF7, lr;
	s5 =	simm.s32 $0xFFFFFFFF;
	p2 =	slt.u32 s8, $0xFFFFF086  }
0x1c: {  	p1 =	slt.u32 s9, $0xF7A;
	s5 =	simm.s32 @!p2 $0x0  }
0x1d: {  	s5 =	simm.s32 @p1 $0x1;
	p0 =	seq.s32 s7, s2  }
0x1e: {  	s7 =	smul.u32 @!p0 $0xF7A, s2;
	p2 =	seq.s32 @!p0 s5, $0x0  }
0x1f: {  	s9 =	smul.u32 $0xF7A, s1;
	s8 =	simm.s32 @!p0 $0x1BF5;
	p2 =	por !p2, p0  }
0x20: {  	[sflag:s8] =	ssyncset.s32 @!p0 $0xFFFFF086;
	s6 =	sadd.s32 @!p0 s3, s7;
	s7 =	simm.s32 @!p0 $0x108  }
0x21: {  	s3 =	sadd.s32 s3, s9;
	s6 =	sadd.s32 @!p0 $0x88, s6;
	s7 =	simm.s32 @p2 $0x1082  }
0x22: {  	[simem:s7], [sflag:s8] =	dma.local @!p0 [hbm:s6], $0xF7A  }
0x23: {  	s9 =	sor.u32 $0xD0000000, s2;
	s6 =	simm.s32 $0x108;
	_ =	swait.ge @!p0 [sflag:s8], $0x0  }
0x24: {  	s3 =	sadd.s32 $0x88, s3;
	s6 =	simm.s32 @!p1 $0x1082;
	[sflag:s4] =	ssyncset.s32 $0xFFFFF086  }
0x25: {  	[simem:s6], [sflag:s4] =	dma.local [hbm:s3], $0xF7A  }
0x26: {  	[smem:$0x3F94] =	sst s1;
	(tag) =	ssettag s2;
	_ =	strace s9  }
0x27: {  	s1 =	sld [smem:$0x3FA4]  }
0x28: {  	s2 =	sld [smem:$0x3FA5]  }
0x29: {  	s4 =	sld [smem:$0x3FA7]  }
0x2a: {  	p0 =	seq.s32 s5, $0x0;
	s5 =	sld [smem:$0x3FA8]  }
0x2b: {  	s6 =	sld [smem:$0x3FA9]  }
0x2c: {  	s7 =	sld [smem:$0x3FAA]  }
0x2d: {  	s3 =	simm.s32 $0x108;
	s8 =	sld [smem:$0x3FAB]  }
0x2e: {  	s3 =	simm.s32 @!p0 $0x1082;
	s9 =	sld [smem:$0x3FAC]  }
0x2f: {  	lr =	sadd.s32 s0, s3;
	s0 =	sld [smem:$0x3FA3]  }
0x30: {  	s3 =	sld [smem:$0x3FA6]  }
0x31: {  	[smem:$0x3FAF] =	sst s10  }
0x32: {  	s10 =	sld [smem:$0x3FAD];
	_ =	sdelay $0x3  }
0x33: {  	p0 =	seq.s32 s10, $0x1;
	s10 =	sld [smem:$0x3FAF];
	_ =	sdelay $0x3  }
0x34: {  	[smem:$0x3FAF] =	sst s10  }
0x35: {  	s10 =	sld [smem:$0x3FAE];
	_ =	sdelay $0x3  }
0x36: {  	p1 =	seq.s32 s10, $0x1;
	s10 =	sld [smem:$0x3FAF];
	_ =	sdelay $0x3  }
0x37: {  	[smem:$0x3FAF] =	sst s10  }
0x38: {  	s10 =	sld [smem:$0x3FB0]  }
0x39: {  	_ = 	snop;
	(pc) =	sbr.ind lr, $3  }
0x3a: {  	_ = 	snop  }
0x3b: {  	_ = 	snop  }
0x3c: {  	p2 =	seq.s32 s10, $0x1;
	s10 =	sld [smem:$0x3FAF]  }
0x3d: {  	_ =	shalt  }
0x3e: {  	_ =	shalt  }
0x3f: {  	_ =	shalt  }
0x40: {  	_ =	shalt  }
0x41: {  	_ =	shalt  }
0x42: {  	_ =	shalt  }
0x43: {  	_ =	shalt  }
0x44: {  	_ =	shalt  }
0x45: {  	_ =	shalt  }
0x46: {  	_ =	shalt  }
0x47: {  	_ =	shalt  }
0x48: {  	_ =	shalt  }
0x49: {  	_ =	shalt  }
0x4a: {  	_ =	shalt  }
0x4b: {  	_ =	shalt  }
0x4c: {  	_ =	shalt  }
0x4d: {  	_ =	shalt  }
0x4e: {  	_ =	shalt  }
0x4f: {  	_ =	shalt  }
0x50: {  	_ =	shalt  }
0x51: {  	_ =	shalt  }
0x52: {  	_ =	shalt  }
0x53: {  	_ =	shalt  }
0x54: {  	_ =	shalt  }
0x55: {  	_ =	shalt  }
0x56: {  	_ =	shalt  }
0x57: {  	_ =	shalt  }
0x58: {  	_ =	shalt  }
0x59: {  	_ =	shalt  }
0x5a: {  	_ =	shalt  }
0x5b: {  	_ =	shalt  }
0x5c: {  	_ =	shalt  }
0x5d: {  	_ =	shalt  }
0x5e: {  	_ =	shalt  }
0x5f: {  	_ =	shalt  }
0x60: {  	_ =	shalt  }
0x61: {  	_ =	shalt  }
0x62: {  	_ =	shalt  }
0x63: {  	_ =	shalt  }
0x64: {  	_ =	shalt  }
0x65: {  	_ =	shalt  }
0x66: {  	_ =	shalt  }
0x67: {  	_ =	shalt  }
0x68: {  	_ =	shalt  }
0x69: {  	_ =	shalt  }
0x6a: {  	_ =	shalt  }
0x6b: {  	_ =	shalt  }
0x6c: {  	_ =	shalt  }
0x6d: {  	_ =	shalt  }
0x6e: {  	_ =	shalt  }
0x6f: {  	_ =	shalt  }
0x70: {  	_ =	shalt  }
0x71: {  	_ =	shalt  }
0x72: {  	_ =	shalt  }
0x73: {  	_ =	shalt  }
0x74: {  	_ =	shalt  }
0x75: {  	_ =	shalt  }
0x76: {  	_ =	shalt  }
0x77: {  	_ =	shalt  }
0x78: {  	_ =	shalt  }
0x79: {  	_ =	shalt  }
0x7a: {  	_ =	shalt  }
0x7b: {  	_ =	shalt  }
0x7c: {  	_ =	shalt  }
0x7d: {  	_ =	shalt  }
0x7e: {  	_ =	shalt  }
0x7f: {  	_ =	shalt  }
0x80: {  	_ =	shalt  }
0x81: {  	_ =	shalt  }
0x82: {  	_ =	shalt  }
0x83: {  	_ =	shalt  }
0x84: {  	_ =	shalt  }
0x85: {  	_ =	shalt  }
0x86: {  	_ =	shalt  }
0x87: {  	_ =	shalt  }
.Lfunc_end0:
.L_simem_size_0:
called_computation_lowered:
.L_overlay_start_0:
0x88: {  	s2 =	sld [smem:$0x3FD9]  }
0x89: {  	s3 =	sld [smem:$0x3FFE];
	_ =	sdelay $0x1  }
0x8a: {  	s1 =	srdreg.scid  }
0x8b: {  	s0 =	sand.u32 $0x1, s1  }
0x8c: {  	s17 =	sshll.u32 s0, $0xA;
	s2 =	sadd.s32 s3, s2  }
0x8d: {  	s2 =	sadd.s32 s2, s17  }
0x8e: {  	[smem:$0x3FBB] =	sst s2  }
0x8f: {  	_ = 	snop  }
0x90: {  	s2 =	sld [smem:$0x3FD0];
	(tm) =	ssettm $0x1  }
0x91: {  	s18 =	sld [smem:$0x3FFB];
	_ =	sdelay $0x3  }
0x92: {  	_ =	strace s18  }
0x93: {  	s3 =	sld [smem:$0x3FFC];
	_ =	sdelay $0x3  }
0x94: {  	_ =	strace s3  }
0x95: {  	s3 =	sld [smem:$0x3FFD];
	_ =	sdelay $0x3  }
0x96: {  	_ =	strace s3  }
0x97: {  	_ =	strace $0x8FFFFFFF  }
0x98: {  	s19 =	sld [smem:$0x3FDB];
	_ =	sdelay $0x1  }
0x99: {  	s4 =	simm.s32 $_scs_section_size  }
0x9a: {  	s5 =	simm.s32 $_size__tile_overlayer_lowered;
	s6 =	simm.s32 $_tile_overlayer_lowered  }
0x9b: {  	s22 =	simm.s32 $0x1BFF;
	s21 =	sshll.u32 s6, $0x1;
	s3 =	sadd.s32 s4, s19  }
0x9c: {  	s7 =	simm.s32 $0x0;
	s20 =	sshll.u32 s5, $0x1;
	s5 =	sadd.s32 s21, s3  }
0x9d: {  	[timem:s7], [sflag:s22] =	dma.local [hbm:s5], s20  }
0x9e: {  	_ =	swait.ge [sflag:s22], s20  }
0x9f: {  	s4 =	ssub.s32 $0x0, s20;
	[sflag:s22] =	ssyncset.done $0x0  }
0xa0: {  	[sflag:s22] =	ssyncadd.s32 s4;
	_ =	sdelay $0x1  }
0xa1: {  	s23 =	simm.s32 $0x1B8B  }
0xa2: {  	_ =	swait.ge [sflag:s23], $0x1  }
0xa3: {  	[sflag:s23] =	ssyncset.done $0x0  }
0xa4: {  	s25 =	simm.s32 $0x1B8E;
	s24 =	sld [smem:$0x3FFE];
	[sflag:s23] =	ssyncadd.s32 $0xFFFFFFFF  }
0xa5: {  	s26 =	simm.s32 $execute0_lowered;
	[smem:$0x3FD2] =	sst s25  }
0xa6: {  	s5 =	sshll.u32 s26, $0x1;
	_ =	strace $0x80000046;
	[dreg:$0x1] =	wrdreg $0xFFFFFFFF  }
0xa7: {  	s28 =	simm.s32 $_size_execute0_lowered;
	s3 =	sadd.s32 s3, s5;
	[dreg:$0x0] =	wrdreg $0x0  }
0xa8: {  	s5 =	sshll.u32 s28, $0x1;
	[dreg:$0x2] =	wrdreg s3  }
0xa9: {  	[dreg:$0x3] =	wrdreg s5  }
0xaa: {  	[dreg:$0x4] =	wrdreg $0xC0  }
0xab: {  	_ =	task [dreg:s7], $0x5FFFF  }
0xac: {  	[dreg:$0x1] =	wrdreg $0xFFFFFFFF  }
0xad: {  	[dreg:$0x0] =	wrdreg $0x60  }
0xae: {  	[dreg:$0x2] =	wrdreg s24  }
0xaf: {  	[dreg:$0x3] =	wrdreg s2  }
0xb0: {  	[dreg:$0x4] =	wrdreg $0x9  }
0xb1: {  	_ =	task.clear_ibuf [dreg:s7], $0x5FFFF;
	_ =	strace $0x90000046  }
0xb2: {  	s29 =	simm.s32 $0x9;
	_ =	strace $0x80000048  }
0xb3: {  	_ =	swait.ge [sflag:s29], $0x1  }
0xb4: {  	[sflag:s29] =	ssyncadd.s32 $0xFFFFFFFF  }
0xb5: {  	_ =	strace $0x90000048  }
0xb6: {  	_ =	sfence  }
0xb7: {  	s30 =	sld [smem:$0x0];
	_ =	sdelay $0x2  }
0xb8: {  	s31 =	sshll.u32 s1, $0xD;
	s1 =	sshrl.u32 s1, $0x2  }
0xb9: {  	s3 =	sand.u32 $0x4000, s31;
	s1 =	sadd.s32 s1, s30  }
0xba: {  	s0 =	sor.u32 s3, s0;
	s1 =	sshll.u32 s1, $0x11  }
0xbb: {  	s0 =	sor.u32 s1, s0  }
0xbc: {  	s0 =	sadd.s32 $0x8F2B, s0  }
0xbd: {  	[sflag:s0] =	ssyncadd.remote.s32 $0x1  }
0xbe: {  	_ =	sfence.sel $0xFFFF  }
0xbf: {  	[dreg:$0x0] =	wrdreg $0xFFFFFFFF;
	(pc) =	sbr.abs _section_cstart, $3  }
0xc0: {  	[dreg:$0x1] =	wrdreg $0xFFFFFFFF  }
0xc1: {  	_ =	task.clear_ibuf [dreg:s7], $0x2FFFF;
	_ =	strace $0x9FFFFFFF  }
0xc2: {  	(tm) =	ssettm $0x7FFFFFFF  }
0xc3: {  	_ =	shalt  }
tec
execute0_lowered:
.L_overlay_start_1:
0x0: {  	(tag) =	ssettag $0x1  }
0x1: {  	s3 =	rddreg [dreg:$0x0]  }
0x2: {  	s1 =	rddreg [dreg:$0x1]  }
0x3: {  	s0 =	rddreg [dreg:$0x2];
	s2 =	simm.s32 $0x0;
	s4 =	srdreg.scid  }
0x4: {  	s12 =	simm.s32 $0x800;
	s13 =	simm.s32 $0x1000;
	s14 =	simm.s32 $0x1  }
0x5: {  	s15 =	simm.s32 $0x9000;
	s16 =	simm.s32 $0x0;
	[smem:$0x7FF] =	sst s2  }
0x6: {  	s7 =	sand.u32 $0x1, s4;
	s4 =	sadd.s32 $0x27AE000, s3;
	s5 =	sadd.s32 $0x101C00, s3  }
0x7: {  	s6 =	sadd.s32 $0x1C00, s3;
	s3 =	stileid.u32;
	_ =	strace $0x80000047  }
0x8: {  	s8 =	ssub.s32 $0x2, s7;
	s10 =	sshll.u32 s3, $0xF;
	s7 =	sshll.u32 s7, $0xE  }
0x9: {  	s11 =	sshll.u32 s3, $0x4;
	s9 =	sshrl.u32 s8, $0x1;
	s7 =	sor.u32 s7, s10  }
0xa: {  	s11 =	sand.u32 $0xC0, s11;
	s10 =	simm.s32 $0x2;
	s8 =	ssub.s32 s8, s9  }
0xb: {  	s9 =	simm.s32 $0x11000;
	s11 =	sshrl.u32 s11, $0x2;
	s8 =	smax.u32 s8, $0x1  }
.LBB2_1:
0xc: {  	[tilespmem:s9], [sflag:$0x2] =	stream.linear.gather [hbm4b:s1+s2], $0x40, $0x38;
	[tilespmem:$0x11040] =	vst v63  }
0xd: {  	_ =	swait.ge [sflag:s10], $0x40  }
0xe: {  	[sflag:s10] =	ssyncset.done $0x0  }
0xf: {  	[sflag:s10] =	ssyncadd.s32 $0xFFFFFFC0  }
0x10: {  	v0 =	vld [tilespmem:s11+$0x11000];
	_ =	sdelay $0x3  }
0x11: {  	s17 =	simm.s32 $0x0  }
.LBB2_2:
0x12: {  	s18 =	sshll.u32 s17, $0xB  }
0x13: {  	s18 =	sadd.s32 s7, s18  }
0x14: {  	s19 =	sshrl.u32 s18, $0x3  }
0x15: {  	s20 =	simm.s32 $0x0;
	s19 =	sadd.s32 s5, s19  }
0x16: {  	[tilespmem:s20], [sflag:$0x2] =	stream.linear.gather [hbm4b:s19+s20], $0x800, $0x38;
	[tilespmem:$0x11040] =	vst v63  }
0x17: {  	_ =	swait.ge [sflag:s10], $0x800  }
0x18: {  	[sflag:s10] =	ssyncset.done $0x0  }
0x19: {  	s20 =	simm.s32 $0x0;
	[sflag:s10] =	ssyncadd.s32 $0xFFFFF800  }
0x1a: {  	v2 =	vld [tilespmem:s20+$0x70]  }
0x1b: {  	v5 =	vld [tilespmem:s20+$0x0]  }
0x1c: {  	v6 =	vld [tilespmem:s20+$0x10]  }
0x1d: {  	v4 =	vld [tilespmem:s20+$0x20]  }
0x1e: {  	v3 =	vld [tilespmem:s20+$0x30]  }
0x1f: {  	v1 =	vld [tilespmem:s20+$0x40];
	v7 =	vadd.s32 v0, v2  }
0x20: {  	v2 =	vld [tilespmem:s20+$0x50];
	v5 =	vadd.s32 v0, v5;
	[tilespmem:s20+$0x870] =	vst v7  }
0x21: {  	s21 =	simm.s32 $0x400;
	s19 =	simm.s32 $0x80;
	v6 =	vadd.s32 v0, v6;
	[tilespmem:s20+$0x800] =	vst v5;
	v5 =	vld [tilespmem:s20+$0x60]  }
.LBB2_3:
0x22: {  	p0 =	sne.s32 s21, $0x1E00;
	v7 =	vld [tilespmem:s19+$0x70];
	[tilespmem:s20+$0x810] =	vst v6;
	v4 =	vadd.s32 v0, v4  }
0x23: {  	v6 =	vld [tilespmem:s19+$0x0];
	[tilespmem:s20+$0x820] =	vst v4;
	v3 =	vadd.s32 v0, v3  }
0x24: {  	v8 =	vld [tilespmem:s19+$0x10];
	[tilespmem:s20+$0x830] =	vst v3;
	v1 =	vadd.s32 v0, v1  }
.Ltmp0:
0x25: {  	v4 =	vld [tilespmem:s19+$0x20];
	[tilespmem:s20+$0x840] =	vst v1;
	v1 =	vadd.s32 v0, v2;
	(pc) =	sbr.rel @p0 .LBB2_3-.Ltmp0, $4  }
0x26: {  	v3 =	vld [tilespmem:s19+$0x30];
	[tilespmem:s20+$0x850] =	vst v1;
	v2 =	vadd.s32 v0, v5  }
0x27: {  	v1 =	vld [tilespmem:s19+$0x40];
	v5 =	vadd.s32 v0, v7;
	[tilespmem:s20+$0x860] =	vst v2;
	s20 =	smov.u32 s19  }
0x28: {  	v6 =	vadd.s32 v0, v6;
	v2 =	vld [tilespmem:s20+$0x50];
	[tilespmem:s20+$0x870] =	vst v5  }
0x29: {  	s19 =	sshra.s32 s21, $0x2;
	s21 =	sadd.s32 $0x200, s21;
	[tilespmem:s20+$0x800] =	vst v6;
	v6 =	vadd.s32 v0, v8;
	v5 =	vld [tilespmem:s20+$0x60]  }
0x2a: {  	v7 =	vld [tilespmem:s19+$0x70];
	[tilespmem:s20+$0x810] =	vst v6;
	v4 =	vadd.s32 v0, v4  }
0x2b: {  	v6 =	vld [tilespmem:s19+$0x0];
	[tilespmem:s20+$0x820] =	vst v4;
	v3 =	vadd.s32 v0, v3  }
0x2c: {  	v4 =	vld [tilespmem:s19+$0x10];
	[tilespmem:s20+$0x830] =	vst v3;
	v1 =	vadd.s32 v0, v1  }
0x2d: {  	v3 =	vld [tilespmem:s19+$0x20];
	[tilespmem:s20+$0x840] =	vst v1;
	v1 =	vadd.s32 v0, v2  }
0x2e: {  	v2 =	vld [tilespmem:s19+$0x30];
	[tilespmem:s20+$0x850] =	vst v1;
	v1 =	vadd.s32 v0, v5  }
0x2f: {  	v5 =	vld [tilespmem:s19+$0x40];
	[tilespmem:s20+$0x860] =	vst v1;
	v1 =	vadd.s32 v0, v7  }
0x30: {  	v7 =	vld [tilespmem:s19+$0x50];
	v6 =	vadd.s32 v0, v6;
	[tilespmem:s19+$0x870] =	vst v1  }
0x31: {  	[tilespmem:s19+$0x800] =	vst v6;
	v1 =	vadd.s32 v0, v4;
	v4 =	vld [tilespmem:s19+$0x60]  }
0x32: {  	[tilespmem:s19+$0x810] =	vst v1;
	v1 =	vadd.s32 v0, v3  }
0x33: {  	[tilespmem:s19+$0x820] =	vst v1;
	v1 =	vadd.s32 v0, v2  }
0x34: {  	[tilespmem:s19+$0x830] =	vst v1;
	v1 =	vadd.s32 v0, v5  }
0x35: {  	[tilespmem:s19+$0x840] =	vst v1;
	v1 =	vadd.s32 v0, v7  }
0x36: {  	[tilespmem:s19+$0x850] =	vst v1;
	v1 =	vadd.s32 v0, v4  }
0x37: {  	[tilespmem:s19+$0x860] =	vst v1  }
0x38: {  	[tilespmem:s13], [sflag:$0x1] =	stream.indirect.gather [hbm4b:s4+s12], $0x10, s12, s12, $0xb8;
	[tilespmem:$0x11040] =	vst v63  }
0x39: {  	_ =	swait.ge [sflag:s14], $0x8000  }
0x3a: {  	[sflag:s14] =	ssyncset.done $0x0  }
0x3b: {  	s19 =	simm.s32 $0x0;
	[sflag:s14] =	ssyncadd.s32 $0xFFFF8000  }
0x3c: {  	v4 =	vld [tilespmem:s19+$0x1070]  }
0x3d: {  	v5 =	vld [tilespmem:s19+$0x1000]  }
0x3e: {  	v6 =	vld [tilespmem:s19+$0x1010]  }
0x3f: {  	v3 =	vld [tilespmem:s19+$0x1020]  }
0x40: {  	v1 =	vld [tilespmem:s19+$0x1030]  }
0x41: {  	v2 =	vld [tilespmem:s19+$0x1040];
	[tilespmem:s19+$0x9070] =	vst v4  }
0x42: {  	[tilespmem:s19+$0x9000] =	vst v5;
	v4 =	vld [tilespmem:s19+$0x1050]  }
0x43: {  	s21 =	simm.s32 $0x400;
	s20 =	simm.s32 $0x80;
	[tilespmem:s19+$0x9010] =	vst v6;
	v5 =	vld [tilespmem:s19+$0x1060]  }
.LBB2_5:
0x44: {  	p0 =	sne.s32 s21, $0x1FE00;
	v6 =	vld [tilespmem:s20+$0x1070];
	[tilespmem:s19+$0x9020] =	vst v3  }
0x45: {  	v7 =	vld [tilespmem:s20+$0x1000];
	[tilespmem:s19+$0x9030] =	vst v1  }
0x46: {  	v8 =	vld [tilespmem:s20+$0x1010];
	[tilespmem:s19+$0x9040] =	vst v2  }
.Ltmp1:
0x47: {  	v3 =	vld [tilespmem:s20+$0x1020];
	[tilespmem:s19+$0x9050] =	vst v4;
	(pc) =	sbr.rel @p0 .LBB2_5-.Ltmp1, $4  }
0x48: {  	v1 =	vld [tilespmem:s20+$0x1030];
	[tilespmem:s19+$0x9060] =	vst v5;
	s19 =	smov.u32 s20  }
0x49: {  	v2 =	vld [tilespmem:s19+$0x1040];
	[tilespmem:s19+$0x9070] =	vst v6  }
0x4a: {  	[tilespmem:s19+$0x9000] =	vst v7;
	v4 =	vld [tilespmem:s19+$0x1050]  }
0x4b: {  	s20 =	sshra.s32 s21, $0x2;
	s21 =	sadd.s32 $0x200, s21;
	[tilespmem:s19+$0x9010] =	vst v8;
	v5 =	vld [tilespmem:s19+$0x1060]  }
0x4c: {  	v6 =	vld [tilespmem:s20+$0x1070];
	[tilespmem:s19+$0x9020] =	vst v3  }
0x4d: {  	v3 =	vld [tilespmem:s20+$0x1000];
	[tilespmem:s19+$0x9030] =	vst v1  }
0x4e: {  	v1 =	vld [tilespmem:s20+$0x1010];
	[tilespmem:s19+$0x9040] =	vst v2  }
0x4f: {  	v2 =	vld [tilespmem:s20+$0x1020];
	[tilespmem:s19+$0x9050] =	vst v4  }
0x50: {  	v4 =	vld [tilespmem:s20+$0x1030];
	[tilespmem:s19+$0x9060] =	vst v5  }
0x51: {  	v5 =	vld [tilespmem:s20+$0x1040];
	[tilespmem:s20+$0x9070] =	vst v6  }
0x52: {  	[tilespmem:s20+$0x9000] =	vst v3;
	v3 =	vld [tilespmem:s20+$0x1050]  }
0x53: {  	[tilespmem:s20+$0x9010] =	vst v1;
	v1 =	vld [tilespmem:s20+$0x1060]  }
0x54: {  	[tilespmem:s20+$0x9020] =	vst v2  }
0x55: {  	[tilespmem:s20+$0x9030] =	vst v4  }
0x56: {  	s17 =	sadd.s32 $0x1, s17;
	[tilespmem:s20+$0x9040] =	vst v5  }
0x57: {  	s18 =	sshll.u32 s18, $0x1;
	p0 =	sne.s32 s17, $0x8;
	[tilespmem:s20+$0x9050] =	vst v3  }
.Ltmp2:
0x58: {  	s18 =	sadd.s32 s6, s18;
	[tilespmem:s20+$0x9060] =	vst v1;
	(pc) =	sbr.rel @p0 .LBB2_2-.Ltmp2, $4  }
0x59: {  	[hbm4b:s18+s2] =	stream.linear.scatter [tilespmem:s15], [sflag:$0x2], $0x8000, $0x38;
	[tilespmem:$0x11040] =	vst v63  }
0x5a: {  	_ =	swait.ge [sflag:s10], $0x8000  }
0x5b: {  	[sflag:s10] =	ssyncset.done $0x0  }
0x5c: {  	[sflag:s10] =	ssyncadd.s32 $0xFFFF8000  }
0x5d: {  	s16 =	sadd.s32 $0x1, s16  }
0x5e: {  	p0 =	sne.s32 s16, s8  }
.Ltmp3:
0x5f: {  	_ = 	snop;
	(pc) =	sbr.rel @p0 .LBB2_1-.Ltmp3, $1  }
0x60: {  	_ =	sdelay $0x3  }
0x61: {  	_ =	sfence.sel $0x180000  }
0x62: {  	[bflag:$0x0] =	sbarrier.arrive $0xFFFF  }
0x63: {  	p0 =	sne.s32 s3, $0x0;
	_ =	strace $0x90000047  }
0x64: {  	s0 =	sadd.s32 @!p0 $0x100000, s0;
	[bflag:$0x2] =	sbarrier.arrive $0xFFFF  }
0x65: {  	[sflag:s0] =	ssyncadd.tile.s32 @!p0 $0x1;
	_ =	shalt  }
.Lfunc_end2:
_tile_overlayer_lowered:
.L_overlay_start_2:
0x66: {  	(tag) =	ssettag $0x2  }
0x67: {  	s0 =	rddreg [dreg:$0x0];
	s2 =	stileid.u32  }
0x68: {  	s1 =	rddreg [dreg:$0x1];
	p0 =	sne.s32 s2, $0x0  }
0x69: {  	s3 =	rddreg [dreg:$0x2];
	[bflag:$0x3] =	sbarrier.arrive $0xFFFF;
	s2 =	simm.s32 @!p0 $0x1C02  }
0x6a: {  	[timem:s3], [sflag:s2] =	dma.local @!p0 [hbm:s0], s1  }
0x6b: {  	s0 =	simm.s32 @!p0 $0x2  }
0x6c: {  	_ =	swait.ge @!p0 [sflag:s0], s1  }
0x6d: {  	s1 =	ssub.s32 @!p0 $0x0, s1;
	[sflag:s0] =	ssyncset.done @!p0 $0x0  }
0x6e: {  	[sflag:s0] =	ssyncadd.s32 @!p0 s1  }
0x6f: {  	[bflag:$0x3] =	sbarrier.arrive $0xFFFF  }
0x70: {  	_ =	shalt  }

</sc_bundles>
